<compile_context>
chip_gen: v7x
topology: tpu7x:2x2x1
jax: 0.10.2.dev20260603
libtpu: 0.0.44.dev20260713+nightly
codegen_flags: <defaults>
</compile_context>

<pallas_src>
import functools

import jax
import jax.numpy as jnp
from jax import lax
from jax.experimental import pallas as pl
from jax.experimental.pallas import tpu as pltpu
from jax.experimental.pallas import tpu_sc as plsc

N = 10000
NP = 10240
E = 320000
D = 128
OUTF = 128
ALPHA = 0.1

NC = 2
NS = 16
NW = NC * NS
EPT = E // NW
K = 80
NCHUNK = EPT // K
RPT = NP // NS
RZ = 128


def _sc_body(hsrc, src, dst, p_out, c_out,
             src_v, dst_v, rows_v, ones_v, za_v, zc_v, accum_sh, cnt_sh, sem):
    cid = lax.axis_index("c")
    sid = lax.axis_index("s")

    def init_ones(i, carry):
        ones_v[pl.ds(i * 16, 16)] = jnp.ones((16,), jnp.float32)
        return carry

    lax.fori_loop(0, K // 16, init_ones, 0)

    def init_zeros(i, carry):
        def inner(j, c2):
            za_v[i, pl.ds(j * 16, 16)] = jnp.zeros((16,), jnp.float32)
            return c2
        lax.fori_loop(0, D // 16, inner, 0)
        return carry

    lax.fori_loop(0, RZ, init_zeros, 0)

    def init_zc(i, carry):
        zc_v[pl.ds(i * 16, 16)] = jnp.zeros((16,), jnp.float32)
        return carry

    lax.fori_loop(0, RPT // 16, init_zc, 0)

    r0 = sid * RPT
    for kk in range(RPT // RZ):
        pltpu.sync_copy(za_v, accum_sh.at[pl.ds(r0 + kk * RZ, RZ)])
    pltpu.sync_copy(zc_v, cnt_sh.at[pl.ds(r0, RPT)])
    plsc.subcore_barrier()

    ebase = (cid * NS + sid) * EPT

    def chunk(i, carry):
        base = ebase + i * K
        pltpu.sync_copy(src.at[pl.ds(base, K)], src_v)
        pltpu.sync_copy(dst.at[pl.ds(base, K)], dst_v)
        pltpu.async_copy(hsrc.at[src_v], rows_v, sem).wait()
        pltpu.sync_copy(rows_v, accum_sh.at[dst_v], add=True)
        pltpu.sync_copy(ones_v, cnt_sh.at[dst_v], add=True)
        return carry

    lax.fori_loop(0, NCHUNK, chunk, 0)
    plsc.subcore_barrier()

    pltpu.sync_copy(accum_sh.at[pl.ds(r0, RPT)], p_out.at[cid, pl.ds(r0, RPT)])
    pltpu.sync_copy(cnt_sh.at[pl.ds(r0, RPT)], c_out.at[cid, pl.ds(r0, RPT)])


@jax.jit
def _sc_segment_sum(hsrc, src, dst):
    mesh = plsc.VectorSubcoreMesh(core_axis_name="c", subcore_axis_name="s")
    return pl.kernel(
        _sc_body,
        out_type=(
            jax.ShapeDtypeStruct((NC, NP, D), jnp.float32),
            jax.ShapeDtypeStruct((NC, NP), jnp.float32),
        ),
        mesh=mesh,
        scratch_types=[
            pltpu.VMEM((K,), jnp.int32),
            pltpu.VMEM((K,), jnp.int32),
            pltpu.VMEM((K, D), jnp.float32),
            pltpu.VMEM((K,), jnp.float32),
            pltpu.VMEM((RZ, D), jnp.float32),
            pltpu.VMEM((RPT,), jnp.float32),
            pltpu.VMEM_SHARED((NP, D), jnp.float32),
            pltpu.VMEM_SHARED((NP,), jnp.float32),
            pltpu.SemaphoreType.DMA,
        ],
    )(hsrc, src, dst)


def _tc_body(hdst_ref, hbar_ref, p_ref, c_ref, w1_ref, w2_ref, b_ref,
             h_ref, hn_ref):
    s = p_ref[0] + p_ref[1]
    cnt = c_ref[0] + c_ref[1]
    deg = jnp.maximum(cnt, 1.0)
    hd = s / deg[:, None]
    hn = (1.0 - ALPHA) * (hbar_ref[...] - hd) + hd
    hn_ref[...] = hn
    acc = jnp.dot(hdst_ref[...], w1_ref[...], preferred_element_type=jnp.float32)
    acc = acc + jnp.dot(hn, w2_ref[...], preferred_element_type=jnp.float32)
    h_ref[...] = jnp.maximum(acc + b_ref[...], 0.0)


@jax.jit
def _tc_combine(hdst, hbar, p, c, w1, w2, b2d):
    R = 1024
    grid = (NP // R,)
    return pl.pallas_call(
        _tc_body,
        grid=grid,
        in_specs=[
            pl.BlockSpec((R, D), lambda i: (i, 0)),
            pl.BlockSpec((R, D), lambda i: (i, 0)),
            pl.BlockSpec((NC, R, D), lambda i: (0, i, 0)),
            pl.BlockSpec((NC, R), lambda i: (0, i)),
            pl.BlockSpec((D, OUTF), lambda i: (0, 0)),
            pl.BlockSpec((D, OUTF), lambda i: (0, 0)),
            pl.BlockSpec((1, OUTF), lambda i: (0, 0)),
        ],
        out_specs=[
            pl.BlockSpec((R, OUTF), lambda i: (i, 0)),
            pl.BlockSpec((R, D), lambda i: (i, 0)),
        ],
        out_shape=[
            jax.ShapeDtypeStruct((NP, OUTF), jnp.float32),
            jax.ShapeDtypeStruct((NP, D), jnp.float32),
        ],
    )(hdst, hbar, p, c, w1, w2, b2d)


def kernel(H_src, H_dst, HBar, edge_index, W, b):
    src = edge_index[0].astype(jnp.int32)
    dst = edge_index[1].astype(jnp.int32)
    p, c = _sc_segment_sum(H_src, src, dst)
    w1 = W[:, :D].T
    w2 = W[:, D:].T
    hdst_p = jnp.zeros((NP, D), jnp.float32).at[:N].set(H_dst)
    hbar_p = jnp.zeros((NP, D), jnp.float32).at[:N].set(HBar)
    h, hn = _tc_combine(hdst_p, hbar_p, p, c, w1, w2, b.reshape(1, OUTF))
    return (h[:N], hn[:N])

# --- scband reference (transcript-rebuilt; emitter-appended) ---
"""Pipeline reference for scband-sageconv-with-cv-49177375539675 (READ-ONLY COPY).

The authoritative reference and input builder live on the scoring server;
editing this copy changes nothing except your own understanding.
"""

import jax, jax.numpy as jnp
import numpy as np

N = 10000
E = 320000
D = 128
OUT = 128
ALPHA = 0.1


def setup_inputs(seed: int = 0) -> dict:
    key = jax.random.key(seed)
    k1, k2, k3, k4, k5 = jax.random.split(key, 5)
    H_src = jax.random.normal(k1, (N, D), dtype=jnp.float32)
    H_dst = jax.random.normal(k2, (N, D), dtype=jnp.float32)
    HBar = jax.random.normal(k3, (N, D), dtype=jnp.float32)
    edge_index = jax.random.randint(k4, (2, E), 0, N).astype(jnp.int64)
    # xavier_uniform with gain=calculate_gain('relu')=sqrt(2) on W: [out_feats, in_feats*2]
    gain = np.sqrt(2.0)
    fan_in, fan_out = 2 * D, OUT
    a = gain * np.sqrt(6.0 / (fan_in + fan_out))
    W = jax.random.uniform(k5, (OUT, 2 * D), minval=-a, maxval=a, dtype=jnp.float32)
    b = jnp.zeros((OUT,), dtype=jnp.float32)
    return {"H_src": H_src, "H_dst": H_dst, "HBar": HBar, "edge_index": edge_index, "W": W, "b": b}


def reference(H_src, H_dst, HBar, edge_index, W, b):
    # Training-mode forward of SAGEConvWithCV (control-variate GraphSAGE layer).
    src = edge_index[0]
    dst = edge_index[1]
    n_dst = H_dst.shape[0]
    # block.update_all(copy_u('hdelta','m'), mean('m','hdelta_new'))
    m = jnp.take(H_src, src, axis=0)                      # gather [E, D]
    s = jax.ops.segment_sum(m, dst, num_segments=n_dst)   # scatter-add [N_dst, D]
    cnt = jax.ops.segment_sum(jnp.ones((m.shape[0],), dtype=m.dtype), dst, num_segments=n_dst)
    deg = jnp.maximum(cnt, 1.0)[:, None]                  # DGL mean -> 0 for zero-degree
    HDelta_new = s / deg
    agg_HBar_dst = HBar
    h_neigh = (1.0 - ALPHA) * jax.lax.stop_gradient(agg_HBar_dst - HDelta_new) + HDelta_new
    # dropout p=0 is identity
    h = jnp.concatenate([H_dst, h_neigh], axis=1) @ W.T + b
    h = jax.nn.relu(h)
    return (h, h_neigh)

if __name__ == "__main__":
    import jax
    _d = setup_inputs()
    print(jax.jit(kernel)(*tuple(_d.values())))

</pallas_src>

<mosaic_0001>
#map = affine_map<(d0, d1) -> (0, 0)>
#map1 = affine_map<(d0, d1) -> (0)>
#map2 = affine_map<(d0, d1) -> (0, 0, 0)>
module attributes {stable_mosaic.version = 14 : i64} {
  func.func @_sc_body(%arg0: i32, %arg1: i32, %arg2: memref<10000x128xf32, #tpu.memory_space<hbm>>, %arg3: memref<320000xi32, #tpu.memory_space<hbm>>, %arg4: memref<320000xi32, #tpu.memory_space<hbm>>, %arg5: memref<2x10240x128xf32, #tpu.memory_space<hbm>>, %arg6: memref<2x10240xf32, #tpu.memory_space<hbm>>, %arg7: memref<80xi32, #tpu.memory_space<vmem>>, %arg8: memref<80xi32, #tpu.memory_space<vmem>>, %arg9: memref<80x128xf32, #tpu.memory_space<vmem>>, %arg10: memref<80xf32, #tpu.memory_space<vmem>>, %arg11: memref<128x128xf32, #tpu.memory_space<vmem>>, %arg12: memref<640xf32, #tpu.memory_space<vmem>>, %arg13: memref<10240x128xf32, #tpu.memory_space<vmem_shared>>, %arg14: memref<10240xf32, #tpu.memory_space<vmem_shared>>, %arg15: memref<!tpu.dma_semaphore, #tpu.memory_space<semaphore_mem>>) attributes {dimension_semantics = [#tpu.dimension_semantics<core_parallel>, #tpu.dimension_semantics<subcore_parallel>], iteration_bounds = array<i64: 2, 16>, scalar_prefetch = 0 : i64, scratch_operands = 9 : i64, tpu.core_type = #tpu.core_type<sc_vector_subcore>, window_params = [{transform_indices = #map}, {transform_indices = #map1}, {transform_indices = #map1}, {transform_indices = #map2}, {transform_indices = #map}]} {
    %scan3A = arith.constant 0 : i32
    %scan3A_0 = arith.constant 0 : i32
    %scan3A_1 = arith.constant 5 : i32
    %scan3A_2 = arith.addi %scan3A_0, %scan3A_1 : i32
    %scan3A_3 = arith.constant 1 : i32
    scf.for %scan3A_39 = %scan3A_0 to %scan3A_2 step %scan3A_3  : i32 {
      %broadcast_in_dim3A = arith.constant 1.000000e+00 : f32
      %broadcast_in_dim3A_40 = vector.broadcast %broadcast_in_dim3A : f32 to vector<16xf32>
      %mul3A_41 = arith.constant 16 : i32
      %mul3A_42 = arith.muli %scan3A_39, %mul3A_41 : i32
      %swap3A = arith.index_cast %mul3A_42 : i32 to index
      %swap3A_43 = tpu.vector_load %arg10[%swap3A] {strides = array<i32>} : memref<80xf32, #tpu.memory_space<vmem>>, vector<16xf32>,
      %swap3A_44 = vector.shape_cast %swap3A_43 : vector<16xf32> to vector<16xf32>
      %swap3A_45 = vector.shape_cast %broadcast_in_dim3A_40 : vector<16xf32> to vector<16xf32>
      tpu.vector_store %arg10[%swap3A], %swap3A_45 {strides = array<i32>} : memref<80xf32, #tpu.memory_space<vmem>>, vector<16xf32>,
    }
    %scan3A_4 = arith.constant 5 : i32
    %scan3A_5 = arith.constant 0 : i32
    %scan3A_6 = arith.constant 0 : i32
    %scan3A_7 = arith.constant 128 : i32
    %scan3A_8 = arith.addi %scan3A_6, %scan3A_7 : i32
    %scan3A_9 = arith.constant 1 : i32
    scf.for %scan3A_39 = %scan3A_6 to %scan3A_8 step %scan3A_9  : i32 {
      %scan3A_40 = arith.constant 0 : i32
      %scan3A_41 = arith.constant 0 : i32
      %scan3A_42 = arith.constant 8 : i32
      %scan3A_43 = arith.addi %scan3A_41, %scan3A_42 : i32
      %scan3A_44 = arith.constant 1 : i32
      scf.for %scan3A_46 = %scan3A_41 to %scan3A_43 step %scan3A_44  : i32 {
        %broadcast_in_dim3A = arith.constant 0.000000e+00 : f32
        %broadcast_in_dim3A_47 = vector.broadcast %broadcast_in_dim3A : f32 to vector<16xf32>
        %mul3A_48 = arith.constant 16 : i32
        %mul3A_49 = arith.muli %scan3A_46, %mul3A_48 : i32
        %swap3A = arith.index_cast %scan3A_39 : i32 to index
        %swap3A_50 = arith.index_cast %mul3A_49 : i32 to index
        %swap3A_51 = tpu.vector_load %arg11[%swap3A, %swap3A_50] {strides = array<i32>} : memref<128x128xf32, #tpu.memory_space<vmem>>, vector<1x16xf32>,
        %swap3A_52 = vector.shape_cast %swap3A_51 : vector<1x16xf32> to vector<16xf32>
        %swap3A_53 = vector.shape_cast %broadcast_in_dim3A_47 : vector<16xf32> to vector<1x16xf32>
        tpu.vector_store %arg11[%swap3A, %swap3A_50], %swap3A_53 {strides = array<i32>} : memref<128x128xf32, #tpu.memory_space<vmem>>, vector<1x16xf32>,
      }
      %scan3A_45 = arith.constant 8 : i32
    }
    %scan3A_10 = arith.constant 128 : i32
    %scan3A_11 = arith.constant 0 : i32
    %scan3A_12 = arith.constant 0 : i32
    %scan3A_13 = arith.constant 40 : i32
    %scan3A_14 = arith.addi %scan3A_12, %scan3A_13 : i32
    %scan3A_15 = arith.constant 1 : i32
    scf.for %scan3A_39 = %scan3A_12 to %scan3A_14 step %scan3A_15  : i32 {
      %broadcast_in_dim3A = arith.constant 0.000000e+00 : f32
      %broadcast_in_dim3A_40 = vector.broadcast %broadcast_in_dim3A : f32 to vector<16xf32>
      %mul3A_41 = arith.constant 16 : i32
      %mul3A_42 = arith.muli %scan3A_39, %mul3A_41 : i32
      %swap3A = arith.index_cast %mul3A_42 : i32 to index
      %swap3A_43 = tpu.vector_load %arg12[%swap3A] {strides = array<i32>} : memref<640xf32, #tpu.memory_space<vmem>>, vector<16xf32>,
      %swap3A_44 = vector.shape_cast %swap3A_43 : vector<16xf32> to vector<16xf32>
      %swap3A_45 = vector.shape_cast %broadcast_in_dim3A_40 : vector<16xf32> to vector<16xf32>
      tpu.vector_store %arg12[%swap3A], %swap3A_45 {strides = array<i32>} : memref<640xf32, #tpu.memory_space<vmem>>, vector<16xf32>,
    }
    %scan3A_16 = arith.constant 40 : i32
    %mul3A = arith.constant 640 : i32
    %mul3A_17 = arith.muli %arg1, %mul3A : i32
    %add3A = arith.constant 0 : i32
    %add3A_18 = arith.addi %mul3A_17, %add3A : i32
    "tpu.region"() ({
      %run_scoped3A = tpu.sem_alloc : memref<!tpu.dma_semaphore, #tpu.memory_space<semaphore_mem>>
      %dma_start3A = arith.constant 0 : i32
      %dma_start3A_39 = tpu.memref_slice %arg13[%add3A_18, %dma_start3A] : memref<10240x128xf32, #tpu.memory_space<vmem_shared>> -> memref<128x128xf32, #tpu.memory_space<vmem_shared>>
      %dma_start3A_40 = arith.constant 0 : i32
      %dma_start3A_41 = tpu.memref_slice %arg13[%add3A_18, %dma_start3A_40] : memref<10240x128xf32, #tpu.memory_space<vmem_shared>> -> memref<128x128xf32, #tpu.memory_space<vmem_shared>>
      tpu.enqueue_dma source(%arg11 : memref<128x128xf32, #tpu.memory_space<vmem>>) target(%dma_start3A_41 : memref<128x128xf32, #tpu.memory_space<vmem_shared>>) target_semaphore(%run_scoped3A : memref<!tpu.dma_semaphore, #tpu.memory_space<semaphore_mem>>)
      %dma_wait3A = arith.constant 0 : i32
      %dma_wait3A_42 = tpu.memref_slice %arg13[%add3A_18, %dma_wait3A] : memref<10240x128xf32, #tpu.memory_space<vmem_shared>> -> memref<128x128xf32, #tpu.memory_space<vmem_shared>>
      %dma_wait3A_43 = arith.constant 0 : i32
      %dma_wait3A_44 = tpu.memref_slice %arg13[%add3A_18, %dma_wait3A_43] : memref<10240x128xf32, #tpu.memory_space<vmem_shared>> -> memref<128x128xf32, #tpu.memory_space<vmem_shared>>
      tpu.wait_dma2 semaphore(%run_scoped3A : memref<!tpu.dma_semaphore, #tpu.memory_space<semaphore_mem>>) src(%arg11 : memref<128x128xf32, #tpu.memory_space<vmem>>) dst(%dma_wait3A_44 : memref<128x128xf32, #tpu.memory_space<vmem_shared>>)
      tpu.yield
    }) : () -> ()
    %add3A_19 = arith.constant 128 : i32
    %add3A_20 = arith.addi %mul3A_17, %add3A_19 : i32
    "tpu.region"() ({
      %run_scoped3A = tpu.sem_alloc : memref<!tpu.dma_semaphore, #tpu.memory_space<semaphore_mem>>
      %dma_start3A = arith.constant 0 : i32
      %dma_start3A_39 = tpu.memref_slice %arg13[%add3A_20, %dma_start3A] : memref<10240x128xf32, #tpu.memory_space<vmem_shared>> -> memref<128x128xf32, #tpu.memory_space<vmem_shared>>
      %dma_start3A_40 = arith.constant 0 : i32
      %dma_start3A_41 = tpu.memref_slice %arg13[%add3A_20, %dma_start3A_40] : memref<10240x128xf32, #tpu.memory_space<vmem_shared>> -> memref<128x128xf32, #tpu.memory_space<vmem_shared>>
      tpu.enqueue_dma source(%arg11 : memref<128x128xf32, #tpu.memory_space<vmem>>) target(%dma_start3A_41 : memref<128x128xf32, #tpu.memory_space<vmem_shared>>) target_semaphore(%run_scoped3A : memref<!tpu.dma_semaphore, #tpu.memory_space<semaphore_mem>>)
      %dma_wait3A = arith.constant 0 : i32
      %dma_wait3A_42 = tpu.memref_slice %arg13[%add3A_20, %dma_wait3A] : memref<10240x128xf32, #tpu.memory_space<vmem_shared>> -> memref<128x128xf32, #tpu.memory_space<vmem_shared>>
      %dma_wait3A_43 = arith.constant 0 : i32
      %dma_wait3A_44 = tpu.memref_slice %arg13[%add3A_20, %dma_wait3A_43] : memref<10240x128xf32, #tpu.memory_space<vmem_shared>> -> memref<128x128xf32, #tpu.memory_space<vmem_shared>>
      tpu.wait_dma2 semaphore(%run_scoped3A : memref<!tpu.dma_semaphore, #tpu.memory_space<semaphore_mem>>) src(%arg11 : memref<128x128xf32, #tpu.memory_space<vmem>>) dst(%dma_wait3A_44 : memref<128x128xf32, #tpu.memory_space<vmem_shared>>)
      tpu.yield
    }) : () -> ()
    %add3A_21 = arith.constant 256 : i32
    %add3A_22 = arith.addi %mul3A_17, %add3A_21 : i32
    "tpu.region"() ({
      %run_scoped3A = tpu.sem_alloc : memref<!tpu.dma_semaphore, #tpu.memory_space<semaphore_mem>>
      %dma_start3A = arith.constant 0 : i32
      %dma_start3A_39 = tpu.memref_slice %arg13[%add3A_22, %dma_start3A] : memref<10240x128xf32, #tpu.memory_space<vmem_shared>> -> memref<128x128xf32, #tpu.memory_space<vmem_shared>>
      %dma_start3A_40 = arith.constant 0 : i32
      %dma_start3A_41 = tpu.memref_slice %arg13[%add3A_22, %dma_start3A_40] : memref<10240x128xf32, #tpu.memory_space<vmem_shared>> -> memref<128x128xf32, #tpu.memory_space<vmem_shared>>
      tpu.enqueue_dma source(%arg11 : memref<128x128xf32, #tpu.memory_space<vmem>>) target(%dma_start3A_41 : memref<128x128xf32, #tpu.memory_space<vmem_shared>>) target_semaphore(%run_scoped3A : memref<!tpu.dma_semaphore, #tpu.memory_space<semaphore_mem>>)
      %dma_wait3A = arith.constant 0 : i32
      %dma_wait3A_42 = tpu.memref_slice %arg13[%add3A_22, %dma_wait3A] : memref<10240x128xf32, #tpu.memory_space<vmem_shared>> -> memref<128x128xf32, #tpu.memory_space<vmem_shared>>
      %dma_wait3A_43 = arith.constant 0 : i32
      %dma_wait3A_44 = tpu.memref_slice %arg13[%add3A_22, %dma_wait3A_43] : memref<10240x128xf32, #tpu.memory_space<vmem_shared>> -> memref<128x128xf32, #tpu.memory_space<vmem_shared>>
      tpu.wait_dma2 semaphore(%run_scoped3A : memref<!tpu.dma_semaphore, #tpu.memory_space<semaphore_mem>>) src(%arg11 : memref<128x128xf32, #tpu.memory_space<vmem>>) dst(%dma_wait3A_44 : memref<128x128xf32, #tpu.memory_space<vmem_shared>>)
      tpu.yield
    }) : () -> ()
    %add3A_23 = arith.constant 384 : i32
    %add3A_24 = arith.addi %mul3A_17, %add3A_23 : i32
    "tpu.region"() ({
      %run_scoped3A = tpu.sem_alloc : memref<!tpu.dma_semaphore, #tpu.memory_space<semaphore_mem>>
      %dma_start3A = arith.constant 0 : i32
      %dma_start3A_39 = tpu.memref_slice %arg13[%add3A_24, %dma_start3A] : memref<10240x128xf32, #tpu.memory_space<vmem_shared>> -> memref<128x128xf32, #tpu.memory_space<vmem_shared>>
      %dma_start3A_40 = arith.constant 0 : i32
      %dma_start3A_41 = tpu.memref_slice %arg13[%add3A_24, %dma_start3A_40] : memref<10240x128xf32, #tpu.memory_space<vmem_shared>> -> memref<128x128xf32, #tpu.memory_space<vmem_shared>>
      tpu.enqueue_dma source(%arg11 : memref<128x128xf32, #tpu.memory_space<vmem>>) target(%dma_start3A_41 : memref<128x128xf32, #tpu.memory_space<vmem_shared>>) target_semaphore(%run_scoped3A : memref<!tpu.dma_semaphore, #tpu.memory_space<semaphore_mem>>)
      %dma_wait3A = arith.constant 0 : i32
      %dma_wait3A_42 = tpu.memref_slice %arg13[%add3A_24, %dma_wait3A] : memref<10240x128xf32, #tpu.memory_space<vmem_shared>> -> memref<128x128xf32, #tpu.memory_space<vmem_shared>>
      %dma_wait3A_43 = arith.constant 0 : i32
      %dma_wait3A_44 = tpu.memref_slice %arg13[%add3A_24, %dma_wait3A_43] : memref<10240x128xf32, #tpu.memory_space<vmem_shared>> -> memref<128x128xf32, #tpu.memory_space<vmem_shared>>
      tpu.wait_dma2 semaphore(%run_scoped3A : memref<!tpu.dma_semaphore, #tpu.memory_space<semaphore_mem>>) src(%arg11 : memref<128x128xf32, #tpu.memory_space<vmem>>) dst(%dma_wait3A_44 : memref<128x128xf32, #tpu.memory_space<vmem_shared>>)
      tpu.yield
    }) : () -> ()
    %add3A_25 = arith.constant 512 : i32
    %add3A_26 = arith.addi %mul3A_17, %add3A_25 : i32
    "tpu.region"() ({
      %run_scoped3A = tpu.sem_alloc : memref<!tpu.dma_semaphore, #tpu.memory_space<semaphore_mem>>
      %dma_start3A = arith.constant 0 : i32
      %dma_start3A_39 = tpu.memref_slice %arg13[%add3A_26, %dma_start3A] : memref<10240x128xf32, #tpu.memory_space<vmem_shared>> -> memref<128x128xf32, #tpu.memory_space<vmem_shared>>
      %dma_start3A_40 = arith.constant 0 : i32
      %dma_start3A_41 = tpu.memref_slice %arg13[%add3A_26, %dma_start3A_40] : memref<10240x128xf32, #tpu.memory_space<vmem_shared>> -> memref<128x128xf32, #tpu.memory_space<vmem_shared>>
      tpu.enqueue_dma source(%arg11 : memref<128x128xf32, #tpu.memory_space<vmem>>) target(%dma_start3A_41 : memref<128x128xf32, #tpu.memory_space<vmem_shared>>) target_semaphore(%run_scoped3A : memref<!tpu.dma_semaphore, #tpu.memory_space<semaphore_mem>>)
      %dma_wait3A = arith.constant 0 : i32
      %dma_wait3A_42 = tpu.memref_slice %arg13[%add3A_26, %dma_wait3A] : memref<10240x128xf32, #tpu.memory_space<vmem_shared>> -> memref<128x128xf32, #tpu.memory_space<vmem_shared>>
      %dma_wait3A_43 = arith.constant 0 : i32
      %dma_wait3A_44 = tpu.memref_slice %arg13[%add3A_26, %dma_wait3A_43] : memref<10240x128xf32, #tpu.memory_space<vmem_shared>> -> memref<128x128xf32, #tpu.memory_space<vmem_shared>>
      tpu.wait_dma2 semaphore(%run_scoped3A : memref<!tpu.dma_semaphore, #tpu.memory_space<semaphore_mem>>) src(%arg11 : memref<128x128xf32, #tpu.memory_space<vmem>>) dst(%dma_wait3A_44 : memref<128x128xf32, #tpu.memory_space<vmem_shared>>)
      tpu.yield
    }) : () -> ()
    "tpu.region"() ({
      %run_scoped3A = tpu.sem_alloc : memref<!tpu.dma_semaphore, #tpu.memory_space<semaphore_mem>>
      %dma_start3A = tpu.memref_slice %arg14[%mul3A_17] : memref<10240xf32, #tpu.memory_space<vmem_shared>> -> memref<640xf32, #tpu.memory_space<vmem_shared>>
      %dma_start3A_39 = tpu.memref_slice %arg14[%mul3A_17] : memref<10240xf32, #tpu.memory_space<vmem_shared>> -> memref<640xf32, #tpu.memory_space<vmem_shared>>
      tpu.enqueue_dma source(%arg12 : memref<640xf32, #tpu.memory_space<vmem>>) target(%dma_start3A_39 : memref<640xf32, #tpu.memory_space<vmem_shared>>) target_semaphore(%run_scoped3A : memref<!tpu.dma_semaphore, #tpu.memory_space<semaphore_mem>>)
      %dma_wait3A = tpu.memref_slice %arg14[%mul3A_17] : memref<10240xf32, #tpu.memory_space<vmem_shared>> -> memref<640xf32, #tpu.memory_space<vmem_shared>>
      %dma_wait3A_40 = tpu.memref_slice %arg14[%mul3A_17] : memref<10240xf32, #tpu.memory_space<vmem_shared>> -> memref<640xf32, #tpu.memory_space<vmem_shared>>
      tpu.wait_dma2 semaphore(%run_scoped3A : memref<!tpu.dma_semaphore, #tpu.memory_space<semaphore_mem>>) src(%arg12 : memref<640xf32, #tpu.memory_space<vmem>>) dst(%dma_wait3A_40 : memref<640xf32, #tpu.memory_space<vmem_shared>>)
      tpu.yield
    }) : () -> ()
    %barrier3A = arith.constant 0 : index
    tpu.barrier barrier_id(%barrier3A)
    %mul3A_27 = arith.constant 16 : i32
    %mul3A_28 = arith.muli %arg0, %mul3A_27 : i32
    %add3A_29 = arith.addi %mul3A_28, %arg1 : i32
    %mul3A_30 = arith.constant 10000 : i32
    %mul3A_31 = arith.muli %add3A_29, %mul3A_30 : i32
    %scan3A_32 = arith.constant 0 : i32
    %scan3A_33 = arith.constant 0 : i32
    %scan3A_34 = arith.constant 125 : i32
    %scan3A_35 = arith.addi %scan3A_33, %scan3A_34 : i32
    %scan3A_36 = arith.constant 1 : i32
    scf.for %scan3A_39 = %scan3A_33 to %scan3A_35 step %scan3A_36  : i32 {
      %mul3A_40 = arith.constant 80 : i32
      %mul3A_41 = arith.muli %scan3A_39, %mul3A_40 : i32
      %add3A_42 = arith.addi %mul3A_31, %mul3A_41 : i32
      "tpu.region"() ({
        %run_scoped3A = tpu.sem_alloc : memref<!tpu.dma_semaphore, #tpu.memory_space<semaphore_mem>>
        %dma_start3A_47 = tpu.memref_slice %arg3[%add3A_42] : memref<320000xi32, #tpu.memory_space<hbm>> -> memref<80xi32, #tpu.memory_space<hbm>>
        %dma_start3A_48 = tpu.memref_slice %arg3[%add3A_42] : memref<320000xi32, #tpu.memory_space<hbm>> -> memref<80xi32, #tpu.memory_space<hbm>>
        tpu.enqueue_dma source(%dma_start3A_48 : memref<80xi32, #tpu.memory_space<hbm>>) target(%arg7 : memref<80xi32, #tpu.memory_space<vmem>>) target_semaphore(%run_scoped3A : memref<!tpu.dma_semaphore, #tpu.memory_space<semaphore_mem>>)
        %dma_wait3A_49 = tpu.memref_slice %arg3[%add3A_42] : memref<320000xi32, #tpu.memory_space<hbm>> -> memref<80xi32, #tpu.memory_space<hbm>>
        %dma_wait3A_50 = tpu.memref_slice %arg3[%add3A_42] : memref<320000xi32, #tpu.memory_space<hbm>> -> memref<80xi32, #tpu.memory_space<hbm>>
        tpu.wait_dma2 semaphore(%run_scoped3A : memref<!tpu.dma_semaphore, #tpu.memory_space<semaphore_mem>>) src(%dma_wait3A_50 : memref<80xi32, #tpu.memory_space<hbm>>) dst(%arg7 : memref<80xi32, #tpu.memory_space<vmem>>)
        tpu.yield
      }) : () -> ()
      "tpu.region"() ({
        %run_scoped3A = tpu.sem_alloc : memref<!tpu.dma_semaphore, #tpu.memory_space<semaphore_mem>>
        %dma_start3A_47 = tpu.memref_slice %arg4[%add3A_42] : memref<320000xi32, #tpu.memory_space<hbm>> -> memref<80xi32, #tpu.memory_space<hbm>>
        %dma_start3A_48 = tpu.memref_slice %arg4[%add3A_42] : memref<320000xi32, #tpu.memory_space<hbm>> -> memref<80xi32, #tpu.memory_space<hbm>>
        tpu.enqueue_dma source(%dma_start3A_48 : memref<80xi32, #tpu.memory_space<hbm>>) target(%arg8 : memref<80xi32, #tpu.memory_space<vmem>>) target_semaphore(%run_scoped3A : memref<!tpu.dma_semaphore, #tpu.memory_space<semaphore_mem>>)
        %dma_wait3A_49 = tpu.memref_slice %arg4[%add3A_42] : memref<320000xi32, #tpu.memory_space<hbm>> -> memref<80xi32, #tpu.memory_space<hbm>>
        %dma_wait3A_50 = tpu.memref_slice %arg4[%add3A_42] : memref<320000xi32, #tpu.memory_space<hbm>> -> memref<80xi32, #tpu.memory_space<hbm>>
        tpu.wait_dma2 semaphore(%run_scoped3A : memref<!tpu.dma_semaphore, #tpu.memory_space<semaphore_mem>>) src(%dma_wait3A_50 : memref<80xi32, #tpu.memory_space<hbm>>) dst(%arg8 : memref<80xi32, #tpu.memory_space<vmem>>)
        tpu.yield
      }) : () -> ()
      %dma_start3A = arith.constant 0 : i32
      %dma_start3A_43 = arith.constant 0 : i32
      %dma_start3A_44 = tpu.memref_slice %arg2[%dma_start3A, %dma_start3A_43] : memref<10000x128xf32, #tpu.memory_space<hbm>> -> memref<10000x128xf32, #tpu.memory_space<hbm>>
      tpu.enqueue_indirect_dma source(%dma_start3A_44 : memref<10000x128xf32, #tpu.memory_space<hbm>>) target(%arg9 : memref<80x128xf32, #tpu.memory_space<vmem>>) offsets(%arg7 : memref<80xi32, #tpu.memory_space<vmem>>) semaphore(%arg15 : memref<!tpu.dma_semaphore, #tpu.memory_space<semaphore_mem>>)
      %dma_wait3A = arith.constant 0 : i32
      %dma_wait3A_45 = arith.constant 0 : i32
      %dma_wait3A_46 = tpu.memref_slice %arg2[%dma_wait3A, %dma_wait3A_45] : memref<10000x128xf32, #tpu.memory_space<hbm>> -> memref<10000x128xf32, #tpu.memory_space<hbm>>
      tpu.wait_indirect_dma semaphore(%arg15 : memref<!tpu.dma_semaphore, #tpu.memory_space<semaphore_mem>>) src(%dma_wait3A_46 : memref<10000x128xf32, #tpu.memory_space<hbm>>) dst(%arg9 : memref<80x128xf32, #tpu.memory_space<vmem>>)
      "tpu.region"() ({
        %run_scoped3A = tpu.sem_alloc : memref<!tpu.dma_semaphore, #tpu.memory_space<semaphore_mem>>
        %dma_start3A_47 = arith.constant 0 : i32
        %dma_start3A_48 = arith.constant 0 : i32
        %dma_start3A_49 = tpu.memref_slice %arg13[%dma_start3A_47, %dma_start3A_48] : memref<10240x128xf32, #tpu.memory_space<vmem_shared>> -> memref<10240x128xf32, #tpu.memory_space<vmem_shared>>
        tpu.enqueue_indirect_dma source(%arg9 : memref<80x128xf32, #tpu.memory_space<vmem>>) target(%dma_start3A_49 : memref<10240x128xf32, #tpu.memory_space<vmem_shared>>) offsets(%arg8 : memref<80xi32, #tpu.memory_space<vmem>>) semaphore(%run_scoped3A : memref<!tpu.dma_semaphore, #tpu.memory_space<semaphore_mem>>) {add = true}
        %dma_wait3A_50 = arith.constant 0 : i32
        %dma_wait3A_51 = arith.constant 0 : i32
        %dma_wait3A_52 = tpu.memref_slice %arg13[%dma_wait3A_50, %dma_wait3A_51] : memref<10240x128xf32, #tpu.memory_space<vmem_shared>> -> memref<10240x128xf32, #tpu.memory_space<vmem_shared>>
        tpu.wait_indirect_dma semaphore(%run_scoped3A : memref<!tpu.dma_semaphore, #tpu.memory_space<semaphore_mem>>) src(%arg9 : memref<80x128xf32, #tpu.memory_space<vmem>>) dst(%dma_wait3A_52 : memref<10240x128xf32, #tpu.memory_space<vmem_shared>>)
        tpu.yield
      }) : () -> ()
      "tpu.region"() ({
        %run_scoped3A = tpu.sem_alloc : memref<!tpu.dma_semaphore, #tpu.memory_space<semaphore_mem>>
        %dma_start3A_47 = arith.constant 0 : i32
        %dma_start3A_48 = tpu.memref_slice %arg14[%dma_start3A_47] : memref<10240xf32, #tpu.memory_space<vmem_shared>> -> memref<10240xf32, #tpu.memory_space<vmem_shared>>
        tpu.enqueue_indirect_dma source(%arg10 : memref<80xf32, #tpu.memory_space<vmem>>) target(%dma_start3A_48 : memref<10240xf32, #tpu.memory_space<vmem_shared>>) offsets(%arg8 : memref<80xi32, #tpu.memory_space<vmem>>) semaphore(%run_scoped3A : memref<!tpu.dma_semaphore, #tpu.memory_space<semaphore_mem>>) {add = true}
        %dma_wait3A_49 = arith.constant 0 : i32
        %dma_wait3A_50 = tpu.memref_slice %arg14[%dma_wait3A_49] : memref<10240xf32, #tpu.memory_space<vmem_shared>> -> memref<10240xf32, #tpu.memory_space<vmem_shared>>
        tpu.wait_indirect_dma semaphore(%run_scoped3A : memref<!tpu.dma_semaphore, #tpu.memory_space<semaphore_mem>>) src(%arg10 : memref<80xf32, #tpu.memory_space<vmem>>) dst(%dma_wait3A_50 : memref<10240xf32, #tpu.memory_space<vmem_shared>>)
        tpu.yield
      }) : () -> ()
    }
    %scan3A_37 = arith.constant 125 : i32
    %barrier3A_38 = arith.constant 0 : index
    tpu.barrier barrier_id(%barrier3A_38)
    "tpu.region"() ({
      %run_scoped3A = tpu.sem_alloc : memref<!tpu.dma_semaphore, #tpu.memory_space<semaphore_mem>>
      %dma_start3A = arith.constant 0 : i32
      %dma_start3A_39 = tpu.memref_slice %arg5[%arg0, %mul3A_17, %dma_start3A] : memref<2x10240x128xf32, #tpu.memory_space<hbm>> -> memref<1x640x128xf32, #tpu.memory_space<hbm>>
      %dma_start3A_40 = tpu.memref_squeeze %dma_start3A_39 : memref<1x640x128xf32, #tpu.memory_space<hbm>> -> memref<640x128xf32, #tpu.memory_space<hbm>>
      %dma_start3A_41 = arith.constant 0 : i32
      %dma_start3A_42 = tpu.memref_slice %arg13[%mul3A_17, %dma_start3A_41] : memref<10240x128xf32, #tpu.memory_space<vmem_shared>> -> memref<640x128xf32, #tpu.memory_space<vmem_shared>>
      tpu.enqueue_dma source(%dma_start3A_42 : memref<640x128xf32, #tpu.memory_space<vmem_shared>>) target(%dma_start3A_40 : memref<640x128xf32, #tpu.memory_space<hbm>>) target_semaphore(%run_scoped3A : memref<!tpu.dma_semaphore, #tpu.memory_space<semaphore_mem>>)
      %dma_wait3A = arith.constant 0 : i32
      %dma_wait3A_43 = tpu.memref_slice %arg5[%arg0, %mul3A_17, %dma_wait3A] : memref<2x10240x128xf32, #tpu.memory_space<hbm>> -> memref<1x640x128xf32, #tpu.memory_space<hbm>>
      %dma_wait3A_44 = tpu.memref_squeeze %dma_wait3A_43 : memref<1x640x128xf32, #tpu.memory_space<hbm>> -> memref<640x128xf32, #tpu.memory_space<hbm>>
      %dma_wait3A_45 = arith.constant 0 : i32
      %dma_wait3A_46 = tpu.memref_slice %arg13[%mul3A_17, %dma_wait3A_45] : memref<10240x128xf32, #tpu.memory_space<vmem_shared>> -> memref<640x128xf32, #tpu.memory_space<vmem_shared>>
      tpu.wait_dma2 semaphore(%run_scoped3A : memref<!tpu.dma_semaphore, #tpu.memory_space<semaphore_mem>>) src(%dma_wait3A_46 : memref<640x128xf32, #tpu.memory_space<vmem_shared>>) dst(%dma_wait3A_44 : memref<640x128xf32, #tpu.memory_space<hbm>>)
      tpu.yield
    }) : () -> ()
    "tpu.region"() ({
      %run_scoped3A = tpu.sem_alloc : memref<!tpu.dma_semaphore, #tpu.memory_space<semaphore_mem>>
      %dma_start3A = tpu.memref_slice %arg6[%arg0, %mul3A_17] : memref<2x10240xf32, #tpu.memory_space<hbm>> -> memref<1x640xf32, #tpu.memory_space<hbm>>
      %dma_start3A_39 = tpu.memref_squeeze %dma_start3A : memref<1x640xf32, #tpu.memory_space<hbm>> -> memref<640xf32, #tpu.memory_space<hbm>>
      %dma_start3A_40 = tpu.memref_slice %arg14[%mul3A_17] : memref<10240xf32, #tpu.memory_space<vmem_shared>> -> memref<640xf32, #tpu.memory_space<vmem_shared>>
      tpu.enqueue_dma source(%dma_start3A_40 : memref<640xf32, #tpu.memory_space<vmem_shared>>) target(%dma_start3A_39 : memref<640xf32, #tpu.memory_space<hbm>>) target_semaphore(%run_scoped3A : memref<!tpu.dma_semaphore, #tpu.memory_space<semaphore_mem>>)
      %dma_wait3A = tpu.memref_slice %arg6[%arg0, %mul3A_17] : memref<2x10240xf32, #tpu.memory_space<hbm>> -> memref<1x640xf32, #tpu.memory_space<hbm>>
      %dma_wait3A_41 = tpu.memref_squeeze %dma_wait3A : memref<1x640xf32, #tpu.memory_space<hbm>> -> memref<640xf32, #tpu.memory_space<hbm>>
      %dma_wait3A_42 = tpu.memref_slice %arg14[%mul3A_17] : memref<10240xf32, #tpu.memory_space<vmem_shared>> -> memref<640xf32, #tpu.memory_space<vmem_shared>>
      tpu.wait_dma2 semaphore(%run_scoped3A : memref<!tpu.dma_semaphore, #tpu.memory_space<semaphore_mem>>) src(%dma_wait3A_42 : memref<640xf32, #tpu.memory_space<vmem_shared>>) dst(%dma_wait3A_41 : memref<640xf32, #tpu.memory_space<hbm>>)
      tpu.yield
    }) : () -> ()
    return
  }
}

</mosaic_0001>

<sc_bundles>
// kernel: _sc_segment_sum.3.cloned.1.call-start
scs
__scs_entry_jumppad:
0x0: {  	(pc) =	sbr.rel $0x88, $3  }
0x1: {  	(tag) =	ssettag $0x0;
	lr =	simm.s32 $0x1  }
0x2: {  	[smem:$0x3F9E] =	sst lr;
	_ =	strace $0xD0000000  }
0x3: {  	_ = 	snop  }
0x4: {  	_ = 	snop  }
0x5: {  	_ = 	snop  }
0x6: {  	_ = 	snop  }
0x7: {  	_ = 	snop  }
__scs_overlays_trampoline_lowered:
0x8: {  	[smem:$0x3FAD] =	sst s0  }
0x9: {  	[smem:$0x3FAE] =	sst s1  }
0xa: {  	[smem:$0x3FAF] =	sst s2  }
0xb: {  	[smem:$0x3FB0] =	sst s3  }
0xc: {  	[smem:$0x3FB1] =	sst s4  }
0xd: {  	[smem:$0x3FB2] =	sst s5  }
0xe: {  	[smem:$0x3FB3] =	sst s6  }
0xf: {  	[smem:$0x3FB4] =	sst s7  }
0x10: {  	[smem:$0x3FB5] =	sst s8  }
0x11: {  	[smem:$0x3FB6] =	sst s9;
	s0 =	simm.s32 @!p0 $0x0  }
0x12: {  	s1 =	sld [smem:$0x3F9C];
	s0 =	simm.s32 @p0 $0x1  }
0x13: {  	[smem:$0x3FB7] =	sst s0;
	s0 =	simm.s32 @!p1 $0x0  }
0x14: {  	s2 =	sld [smem:$0x3F9B];
	s0 =	simm.s32 @p1 $0x1  }
0x15: {  	[smem:$0x3FB8] =	sst s0;
	s0 =	simm.s32 @!p2 $0x0  }
0x16: {  	s3 =	sld [smem:$0x3FDB];
	s0 =	simm.s32 @p2 $0x1  }
0x17: {  	s4 =	simm.s32 $0x1BF5;
	[smem:$0x3FBA] =	sst s0  }
0x18: {  	s0 =	sld [smem:$0x3F9D];
	_ =	swait.ge [sflag:s4], $0x0  }
0x19: {  	s7 =	sld [smem:$0x3F9E]  }
0x1a: {  	s8 =	sadd.s32 $0xFFFFE003, lr  }
0x1b: {  	s9 =	sadd.s32 $0xFFFFFEF7, lr;
	s5 =	simm.s32 $0xFFFFFFFF;
	p2 =	slt.u32 s8, $0xFFFFF086  }
0x1c: {  	p1 =	slt.u32 s9, $0xF7A;
	s5 =	simm.s32 @!p2 $0x0  }
0x1d: {  	s5 =	simm.s32 @p1 $0x1;
	p0 =	seq.s32 s7, s2  }
0x1e: {  	s7 =	smul.u32 @!p0 $0xF7A, s2;
	p2 =	seq.s32 @!p0 s5, $0x0  }
0x1f: {  	s9 =	smul.u32 $0xF7A, s1;
	s8 =	simm.s32 @!p0 $0x1BF5;
	p2 =	por !p2, p0  }
0x20: {  	[sflag:s8] =	ssyncset.s32 @!p0 $0xFFFFF086;
	s6 =	sadd.s32 @!p0 s3, s7;
	s7 =	simm.s32 @!p0 $0x108  }
0x21: {  	s3 =	sadd.s32 s3, s9;
	s6 =	sadd.s32 @!p0 $0x88, s6;
	s7 =	simm.s32 @p2 $0x1082  }
0x22: {  	[simem:s7], [sflag:s8] =	dma.local @!p0 [hbm:s6], $0xF7A  }
0x23: {  	s9 =	sor.u32 $0xD0000000, s2;
	s6 =	simm.s32 $0x108;
	_ =	swait.ge @!p0 [sflag:s8], $0x0  }
0x24: {  	s3 =	sadd.s32 $0x88, s3;
	s6 =	simm.s32 @!p1 $0x1082;
	[sflag:s4] =	ssyncset.s32 $0xFFFFF086  }
0x25: {  	[simem:s6], [sflag:s4] =	dma.local [hbm:s3], $0xF7A  }
0x26: {  	[smem:$0x3F9E] =	sst s1;
	(tag) =	ssettag s2;
	_ =	strace s9  }
0x27: {  	s1 =	sld [smem:$0x3FAE]  }
0x28: {  	s2 =	sld [smem:$0x3FAF]  }
0x29: {  	s4 =	sld [smem:$0x3FB1]  }
0x2a: {  	p0 =	seq.s32 s5, $0x0;
	s5 =	sld [smem:$0x3FB2]  }
0x2b: {  	s6 =	sld [smem:$0x3FB3]  }
0x2c: {  	s7 =	sld [smem:$0x3FB4]  }
0x2d: {  	s3 =	simm.s32 $0x108;
	s8 =	sld [smem:$0x3FB5]  }
0x2e: {  	s3 =	simm.s32 @!p0 $0x1082;
	s9 =	sld [smem:$0x3FB6]  }
0x2f: {  	lr =	sadd.s32 s0, s3;
	s0 =	sld [smem:$0x3FAD]  }
0x30: {  	s3 =	sld [smem:$0x3FB0]  }
0x31: {  	[smem:$0x3FB9] =	sst s10  }
0x32: {  	s10 =	sld [smem:$0x3FB7];
	_ =	sdelay $0x3  }
0x33: {  	p0 =	seq.s32 s10, $0x1;
	s10 =	sld [smem:$0x3FB9];
	_ =	sdelay $0x3  }
0x34: {  	[smem:$0x3FB9] =	sst s10  }
0x35: {  	s10 =	sld [smem:$0x3FB8];
	_ =	sdelay $0x3  }
0x36: {  	p1 =	seq.s32 s10, $0x1;
	s10 =	sld [smem:$0x3FB9];
	_ =	sdelay $0x3  }
0x37: {  	[smem:$0x3FB9] =	sst s10  }
0x38: {  	s10 =	sld [smem:$0x3FBA]  }
0x39: {  	_ = 	snop;
	(pc) =	sbr.ind lr, $3  }
0x3a: {  	_ = 	snop  }
0x3b: {  	_ = 	snop  }
0x3c: {  	p2 =	seq.s32 s10, $0x1;
	s10 =	sld [smem:$0x3FB9]  }
0x3d: {  	_ =	shalt  }
0x3e: {  	_ =	shalt  }
0x3f: {  	_ =	shalt  }
0x40: {  	_ =	shalt  }
0x41: {  	_ =	shalt  }
0x42: {  	_ =	shalt  }
0x43: {  	_ =	shalt  }
0x44: {  	_ =	shalt  }
0x45: {  	_ =	shalt  }
0x46: {  	_ =	shalt  }
0x47: {  	_ =	shalt  }
0x48: {  	_ =	shalt  }
0x49: {  	_ =	shalt  }
0x4a: {  	_ =	shalt  }
0x4b: {  	_ =	shalt  }
0x4c: {  	_ =	shalt  }
0x4d: {  	_ =	shalt  }
0x4e: {  	_ =	shalt  }
0x4f: {  	_ =	shalt  }
0x50: {  	_ =	shalt  }
0x51: {  	_ =	shalt  }
0x52: {  	_ =	shalt  }
0x53: {  	_ =	shalt  }
0x54: {  	_ =	shalt  }
0x55: {  	_ =	shalt  }
0x56: {  	_ =	shalt  }
0x57: {  	_ =	shalt  }
0x58: {  	_ =	shalt  }
0x59: {  	_ =	shalt  }
0x5a: {  	_ =	shalt  }
0x5b: {  	_ =	shalt  }
0x5c: {  	_ =	shalt  }
0x5d: {  	_ =	shalt  }
0x5e: {  	_ =	shalt  }
0x5f: {  	_ =	shalt  }
0x60: {  	_ =	shalt  }
0x61: {  	_ =	shalt  }
0x62: {  	_ =	shalt  }
0x63: {  	_ =	shalt  }
0x64: {  	_ =	shalt  }
0x65: {  	_ =	shalt  }
0x66: {  	_ =	shalt  }
0x67: {  	_ =	shalt  }
0x68: {  	_ =	shalt  }
0x69: {  	_ =	shalt  }
0x6a: {  	_ =	shalt  }
0x6b: {  	_ =	shalt  }
0x6c: {  	_ =	shalt  }
0x6d: {  	_ =	shalt  }
0x6e: {  	_ =	shalt  }
0x6f: {  	_ =	shalt  }
0x70: {  	_ =	shalt  }
0x71: {  	_ =	shalt  }
0x72: {  	_ =	shalt  }
0x73: {  	_ =	shalt  }
0x74: {  	_ =	shalt  }
0x75: {  	_ =	shalt  }
0x76: {  	_ =	shalt  }
0x77: {  	_ =	shalt  }
0x78: {  	_ =	shalt  }
0x79: {  	_ =	shalt  }
0x7a: {  	_ =	shalt  }
0x7b: {  	_ =	shalt  }
0x7c: {  	_ =	shalt  }
0x7d: {  	_ =	shalt  }
0x7e: {  	_ =	shalt  }
0x7f: {  	_ =	shalt  }
0x80: {  	_ =	shalt  }
0x81: {  	_ =	shalt  }
0x82: {  	_ =	shalt  }
0x83: {  	_ =	shalt  }
0x84: {  	_ =	shalt  }
0x85: {  	_ =	shalt  }
0x86: {  	_ =	shalt  }
0x87: {  	_ =	shalt  }
.Lfunc_end0:
.L_simem_size_0:
called_computation_lowered:
.L_overlay_start_0:
0x88: {  	s2 =	sld [smem:$0x3FD9]  }
0x89: {  	s3 =	sld [smem:$0x3FFE];
	_ =	sdelay $0x1  }
0x8a: {  	s1 =	srdreg.scid  }
0x8b: {  	s0 =	sand.u32 $0x1, s1  }
0x8c: {  	s15 =	sshll.u32 s0, $0xA;
	s2 =	sadd.s32 s3, s2  }
0x8d: {  	s2 =	sadd.s32 s2, s15  }
0x8e: {  	[smem:$0x3FC5] =	sst s2  }
0x8f: {  	_ = 	snop  }
0x90: {  	s2 =	sld [smem:$0x3FD0]  }
0x91: {  	s16 =	sld [smem:$0x3FC9]  }
0x92: {  	s4 =	sld [smem:$0x3FC8]  }
0x93: {  	s6 =	simm.s32 $0xA;
	s7 =	simm.s32 $0x10;
	s5 =	sld [smem:$0x3FC7]  }
0x94: {  	[smem:s7], [sflag:s6] =	dma.local [hbm:s2], $0x1  }
0x95: {  	_ =	swait.eq [sflag:s6], $0x1  }
0x96: {  	[sflag:s6] =	ssyncset.done $0x0  }
0x97: {  	s17 =	sld [smem:$0x10];
	[sflag:s6] =	ssyncadd.s32 $0xFFFFFFFF  }
0x98: {  	s18 =	sld [smem:$0x11];
	(tm) =	ssettm $0x1  }
0x99: {  	s19 =	sld [smem:$0x3FFB];
	_ =	sdelay $0x3  }
0x9a: {  	_ =	strace s19  }
0x9b: {  	s7 =	sld [smem:$0x3FFC];
	_ =	sdelay $0x3  }
0x9c: {  	_ =	strace s7  }
0x9d: {  	s7 =	sld [smem:$0x3FFD];
	_ =	sdelay $0x3  }
0x9e: {  	_ =	strace s7  }
0x9f: {  	_ =	strace $0x8FFFFFFF  }
0xa0: {  	s20 =	sld [smem:$0x3FDB];
	_ =	sdelay $0x1  }
0xa1: {  	s8 =	simm.s32 $_scs_section_size  }
0xa2: {  	s9 =	simm.s32 $_size__tile_overlayer_lowered;
	s10 =	simm.s32 $_tile_overlayer_lowered  }
0xa3: {  	s23 =	simm.s32 $0x1BFF;
	s22 =	sshll.u32 s10, $0x1;
	s7 =	sadd.s32 s8, s20  }
0xa4: {  	s11 =	simm.s32 $0x0;
	s21 =	sshll.u32 s9, $0x1;
	s9 =	sadd.s32 s22, s7  }
0xa5: {  	[timem:s11], [sflag:s23] =	dma.local [hbm:s9], s21  }
0xa6: {  	_ =	swait.ge [sflag:s23], s21  }
0xa7: {  	s8 =	ssub.s32 $0x0, s21;
	[sflag:s23] =	ssyncset.done $0x0  }
0xa8: {  	[sflag:s23] =	ssyncadd.s32 s8;
	_ =	sdelay $0x1  }
0xa9: {  	s24 =	simm.s32 $0x1B8B  }
0xaa: {  	_ =	swait.ge [sflag:s24], $0x1  }
0xab: {  	[sflag:s24] =	ssyncset.done $0x0  }
0xac: {  	s25 =	simm.s32 $0x1B8E;
	[sflag:s24] =	ssyncadd.s32 $0xFFFFFFFF  }
0xad: {  	s26 =	simm.s32 $execute0_lowered;
	[smem:$0x3FD2] =	sst s25  }
0xae: {  	s8 =	sshll.u32 s26, $0x1;
	_ =	strace $0x80000046;
	[dreg:$0x1] =	wrdreg $0xFFFFFFFF  }
0xaf: {  	s28 =	simm.s32 $_size_execute0_lowered;
	s7 =	sadd.s32 s7, s8;
	[dreg:$0x0] =	wrdreg $0x0  }
0xb0: {  	s8 =	sshll.u32 s28, $0x1;
	[dreg:$0x2] =	wrdreg s7  }
0xb1: {  	[dreg:$0x3] =	wrdreg s8  }
0xb2: {  	[dreg:$0x4] =	wrdreg $0xC0  }
0xb3: {  	_ =	task [dreg:s11], $0x5FFFF  }
0xb4: {  	[dreg:$0x1] =	wrdreg $0xFFFFFFFF  }
0xb5: {  	[dreg:$0x0] =	wrdreg $0x60  }
0xb6: {  	[dreg:$0x2] =	wrdreg s16  }
0xb7: {  	[dreg:$0x3] =	wrdreg s4  }
0xb8: {  	[dreg:$0x4] =	wrdreg s5  }
0xb9: {  	[dreg:$0x5] =	wrdreg s17  }
0xba: {  	[dreg:$0x6] =	wrdreg s18  }
0xbb: {  	[dreg:$0x7] =	wrdreg $0x6C000  }
0xbc: {  	[dreg:$0x8] =	wrdreg $0x1AC000  }
0xbd: {  	[dreg:$0x9] =	wrdreg $0x9  }
0xbe: {  	_ =	task.clear_ibuf [dreg:s11], $0xAFFFF;
	_ =	strace $0x90000046  }
0xbf: {  	s29 =	simm.s32 $0x9;
	_ =	strace $0x80000048  }
0xc0: {  	_ =	swait.ge [sflag:s29], $0x1  }
0xc1: {  	[sflag:s29] =	ssyncadd.s32 $0xFFFFFFFF  }
0xc2: {  	_ =	strace $0x90000048  }
0xc3: {  	_ =	sfence  }
0xc4: {  	s30 =	sld [smem:$0x0];
	_ =	sdelay $0x2  }
0xc5: {  	s31 =	sshll.u32 s1, $0xD;
	s1 =	sshrl.u32 s1, $0x2  }
0xc6: {  	s3 =	sand.u32 $0x4000, s31;
	s1 =	sadd.s32 s1, s30  }
0xc7: {  	s0 =	sor.u32 s3, s0;
	s1 =	sshll.u32 s1, $0x11  }
0xc8: {  	s0 =	sor.u32 s1, s0  }
0xc9: {  	s0 =	sadd.s32 $0x8F2B, s0  }
0xca: {  	[sflag:s0] =	ssyncadd.remote.s32 $0x1  }
0xcb: {  	_ =	sfence.sel $0xFFFF  }
0xcc: {  	[dreg:$0x0] =	wrdreg $0xFFFFFFFF;
	(pc) =	sbr.abs _section_cstart, $3  }
0xcd: {  	[dreg:$0x1] =	wrdreg $0xFFFFFFFF  }
0xce: {  	_ =	task.clear_ibuf [dreg:s11], $0x2FFFF;
	_ =	strace $0x9FFFFFFF  }
0xcf: {  	(tm) =	ssettm $0x7FFFFFFF  }
tec
execute0_lowered:
.L_overlay_start_1:
0x0: {  	(tag) =	ssettag $0x1  }
0x1: {  	s0 =	rddreg [dreg:$0x0]  }
0x2: {  	s16 =	rddreg [dreg:$0x1]  }
0x3: {  	s15 =	rddreg [dreg:$0x2]  }
0x4: {  	s12 =	rddreg [dreg:$0x3]  }
0x5: {  	s13 =	rddreg [dreg:$0x4];
	s3 =	stileid.u32  }
0x6: {  	s2 =	rddreg [dreg:$0x5];
	s7 =	smul.u32 $0x50000, s3  }
0x7: {  	s4 =	rddreg [dreg:$0x6];
	s5 =	simm.s32 $0x0;
	s11 =	smul.u32 $0xA00, s3  }
0x8: {  	s6 =	srdreg.scid;
	s23 =	simm.s32 $0x1;
	s18 =	smul.u32 $0x14000, s3  }
0x9: {  	s24 =	simm.s32 $0x2900;
	s25 =	simm.s32 $0x20;
	s20 =	smul.u32 $0x500, s3  }
0xa: {  	[smem:$0x7FF] =	sst s5;
	s14 =	sand.u32 $0x1, s6;
	s22 =	smul.u32 $0x2710, s3  }
0xb: {  	s28 =	simm.s32 $0x0;
	_ =	strace $0x80000047;
	s17 =	smul.u32 $0x140000, s14  }
0xc: {  	s8 =	ssub.s32 $0x2, s14;
	s21 =	smul.u32 $0x27100, s14;
	s14 =	sshll.u32 s14, $0x7  }
0xd: {  	s26 =	sshrl.u32 s7, $0x2;
	s29 =	sshrl.u32 s8, $0x1;
	s11 =	sshrl.u32 s11, $0x2  }
0xe: {  	s14 =	sor.u32 s14, s20;
	s20 =	simm.s32 $0x80;
	s6 =	sadd.s32 s26, s2  }
0xf: {  	s19 =	ssub.s32 s8, s29;
	s11 =	sadd.s32 s11, s4;
	s17 =	sadd.s32 s18, s17  }
0x10: {  	s30 =	sadd.s32 s22, s21;
	s14 =	sshrl.u32 s14, $0x3;
	s18 =	simm.s32 $0x2  }
0x11: {  	s21 =	simm.s32 $0x50;
	s22 =	simm.s32 $0x100;
	s26 =	simm.s32 $0x10  }
0x12: {  	s7 =	sadd.s32 $0x4000, s6;
	s8 =	sadd.s32 $0x8000, s6;
	s9 =	sadd.s32 $0xC000, s6  }
0x13: {  	s10 =	sadd.s32 $0x10000, s6;
	s17 =	sshrl.u32 s17, $0x3;
	s31 =	sshrl.u32 s30, $0x3  }
0x14: {  	s13 =	sadd.s32 s13, s14;
	s14 =	smax.u32 s19, $0x1;
	s12 =	sadd.s32 s12, s17  }
0x15: {  	v0 =	vimm.f32 $1.000000000e+00;
	v1 =	vimm.f32 $0.0e+00;
	s15 =	sadd.s32 s31, s15;
	s16 =	sadd.s32 s31, s16;
	s17 =	simm.s32 $0x2980  }
.LBB2_1:
0x16: {  	[tilespmem:$0x2900] =	vst v0  }
0x17: {  	[tilespmem:$0x2910] =	vst v0  }
0x18: {  	[tilespmem:$0x2920] =	vst v0  }
0x19: {  	[tilespmem:$0x2930] =	vst v0  }
0x1a: {  	[tilespmem:$0x2940] =	vst v0;
	s29 =	simm.s32 $0x0;
	s30 =	simm.s32 $0x200  }
.LBB2_2:
0x1b: {  	p0 =	sne.s32 s30, $0xFE00;
	[tilespmem:s29+$0x29F0] =	vst v1  }
0x1c: {  	[tilespmem:s29+$0x2980] =	vst v1  }
0x1d: {  	[tilespmem:s29+$0x2990] =	vst v1  }
.Ltmp0:
0x1e: {  	[tilespmem:s29+$0x29A0] =	vst v1;
	(pc) =	sbr.rel @p0 .LBB2_2-.Ltmp0, $4  }
0x1f: {  	[tilespmem:s29+$0x29B0] =	vst v1  }
0x20: {  	[tilespmem:s29+$0x29C0] =	vst v1  }
0x21: {  	[tilespmem:s29+$0x29D0] =	vst v1  }
0x22: {  	[tilespmem:s29+$0x29E0] =	vst v1;
	s29 =	sshra.s32 s30, $0x2;
	s30 =	sadd.s32 $0x200, s30  }
0x23: {  	[tilespmem:s29+$0x29F0] =	vst v1  }
0x24: {  	[tilespmem:s29+$0x2980] =	vst v1  }
0x25: {  	[tilespmem:s29+$0x2990] =	vst v1  }
0x26: {  	[tilespmem:s29+$0x29A0] =	vst v1  }
0x27: {  	[tilespmem:s29+$0x29B0] =	vst v1  }
0x28: {  	[tilespmem:s29+$0x29C0] =	vst v1  }
0x29: {  	[tilespmem:s29+$0x29D0] =	vst v1  }
0x2a: {  	[tilespmem:s29+$0x29E0] =	vst v1  }
0x2b: {  	[tilespmem:$0x6980] =	vst v1  }
0x2c: {  	[tilespmem:$0x6990] =	vst v1  }
0x2d: {  	[tilespmem:$0x69A0] =	vst v1  }
0x2e: {  	[tilespmem:$0x69B0] =	vst v1  }
0x2f: {  	[tilespmem:$0x69C0] =	vst v1  }
0x30: {  	[tilespmem:$0x69D0] =	vst v1  }
0x31: {  	[tilespmem:$0x69E0] =	vst v1  }
0x32: {  	[tilespmem:$0x69F0] =	vst v1  }
0x33: {  	[tilespmem:$0x6A00] =	vst v1  }
0x34: {  	[tilespmem:$0x6A10] =	vst v1  }
0x35: {  	[tilespmem:$0x6A20] =	vst v1  }
0x36: {  	[tilespmem:$0x6A30] =	vst v1  }
0x37: {  	[tilespmem:$0x6A40] =	vst v1  }
0x38: {  	[tilespmem:$0x6A50] =	vst v1  }
0x39: {  	[tilespmem:$0x6A60] =	vst v1  }
0x3a: {  	[tilespmem:$0x6A70] =	vst v1  }
0x3b: {  	[tilespmem:$0x6A80] =	vst v1  }
0x3c: {  	[tilespmem:$0x6A90] =	vst v1  }
0x3d: {  	[tilespmem:$0x6AA0] =	vst v1  }
0x3e: {  	[tilespmem:$0x6AB0] =	vst v1  }
0x3f: {  	[tilespmem:$0x6AC0] =	vst v1  }
0x40: {  	[tilespmem:$0x6AD0] =	vst v1  }
0x41: {  	[tilespmem:$0x6AE0] =	vst v1  }
0x42: {  	[tilespmem:$0x6AF0] =	vst v1  }
0x43: {  	[tilespmem:$0x6B00] =	vst v1  }
0x44: {  	[tilespmem:$0x6B10] =	vst v1  }
0x45: {  	[tilespmem:$0x6B20] =	vst v1  }
0x46: {  	[tilespmem:$0x6B30] =	vst v1  }
0x47: {  	[tilespmem:$0x6B40] =	vst v1  }
0x48: {  	[tilespmem:$0x6B50] =	vst v1  }
0x49: {  	[tilespmem:$0x6B60] =	vst v1  }
0x4a: {  	[tilespmem:$0x6B70] =	vst v1  }
0x4b: {  	[tilespmem:$0x6B80] =	vst v1  }
0x4c: {  	[tilespmem:$0x6B90] =	vst v1  }
0x4d: {  	[tilespmem:$0x6BA0] =	vst v1  }
0x4e: {  	[tilespmem:$0x6BB0] =	vst v1  }
0x4f: {  	[tilespmem:$0x6BC0] =	vst v1  }
0x50: {  	[tilespmem:$0x6BD0] =	vst v1  }
0x51: {  	[tilespmem:$0x6BE0] =	vst v1  }
0x52: {  	[tilespmem:$0x6BF0] =	vst v1  }
0x53: {  	[spmem:s6] =	stream.linear.scatter [tilespmem:s17], [sflag:$0x2], $0x4000, $0x38;
	[tilespmem:$0x1AE80] =	vst v63  }
0x54: {  	_ =	swait.ge [sflag:s18], $0x4000  }
0x55: {  	[sflag:s18] =	ssyncset.done $0x0  }
0x56: {  	[sflag:s18] =	ssyncadd.s32 $0xFFFFC000  }
0x57: {  	[spmem:s7] =	stream.linear.scatter [tilespmem:s17], [sflag:$0x2], $0x4000, $0x38;
	[tilespmem:$0x1AE80] =	vst v63  }
0x58: {  	_ =	swait.ge [sflag:s18], $0x4000  }
0x59: {  	[sflag:s18] =	ssyncset.done $0x0  }
0x5a: {  	[sflag:s18] =	ssyncadd.s32 $0xFFFFC000  }
0x5b: {  	[spmem:s8] =	stream.linear.scatter [tilespmem:s17], [sflag:$0x2], $0x4000, $0x38;
	[tilespmem:$0x1AE80] =	vst v63  }
0x5c: {  	_ =	swait.ge [sflag:s18], $0x4000  }
0x5d: {  	[sflag:s18] =	ssyncset.done $0x0  }
0x5e: {  	[sflag:s18] =	ssyncadd.s32 $0xFFFFC000  }
0x5f: {  	[spmem:s9] =	stream.linear.scatter [tilespmem:s17], [sflag:$0x2], $0x4000, $0x38;
	[tilespmem:$0x1AE80] =	vst v63  }
0x60: {  	_ =	swait.ge [sflag:s18], $0x4000  }
0x61: {  	[sflag:s18] =	ssyncset.done $0x0  }
0x62: {  	[sflag:s18] =	ssyncadd.s32 $0xFFFFC000  }
0x63: {  	[spmem:s10] =	stream.linear.scatter [tilespmem:s17], [sflag:$0x2], $0x4000, $0x38;
	[tilespmem:$0x1AE80] =	vst v63  }
0x64: {  	_ =	swait.ge [sflag:s18], $0x4000  }
0x65: {  	[sflag:s18] =	ssyncset.done $0x0  }
0x66: {  	s1 =	simm.s32 $0x6980;
	[sflag:s18] =	ssyncadd.s32 $0xFFFFC000  }
0x67: {  	[spmem:s11] =	stream.linear.scatter [tilespmem:s1], [sflag:$0x2], $0x280, $0x38;
	[tilespmem:$0x1AE80] =	vst v63  }
0x68: {  	_ =	swait.ge [sflag:s18], $0x280  }
0x69: {  	[sflag:s18] =	ssyncset.done $0x0  }
0x6a: {  	[sflag:s18] =	ssyncadd.s32 $0xFFFFFD80  }
0x6b: {  	s29 =	sadd.s32 $0x0, s16;
	[bflag:$0x0] =	sbarrier.arrive $0xFFFF  }
0x6c: {  	[tilespmem:s5], [sflag:$0x2] =	stream.linear.gather [hbm4b:s29+s5], $0x50, $0x38;
	[tilespmem:$0x1AE80] =	vst v63  }
0x6d: {  	_ =	swait.ge [sflag:s18], $0x50  }
0x6e: {  	[sflag:s18] =	ssyncset.done $0x0  }
0x6f: {  	s29 =	sadd.s32 $0x0, s15;
	[sflag:s18] =	ssyncadd.s32 $0xFFFFFFB0  }
0x70: {  	[tilespmem:s20], [sflag:$0x2] =	stream.linear.gather [hbm4b:s29+s5], $0x50, $0x38;
	[tilespmem:$0x1AE80] =	vst v63  }
0x71: {  	_ =	swait.ge [sflag:s18], $0x50  }
0x72: {  	[sflag:s18] =	ssyncset.done $0x0  }
0x73: {  	[sflag:s18] =	ssyncadd.s32 $0xFFFFFFB0  }
0x74: {  	[tilespmem:s22], [sflag:$0x1] =	stream.indirect.gather [hbm4b:s0+s21], $0x80, s5, s21, $0xb8;
	[tilespmem:$0x1AE80] =	vst v63  }
0x75: {  	_ =	swait.ge [sflag:s23], $0x2800  }
0x76: {  	[sflag:s23] =	ssyncset.done $0x0  }
0x77: {  	[sflag:s23] =	ssyncadd.s32 $0xFFFFD800  }
0x78: {  	[spmem:s2] =	stream.indirect.scatter.add.f32 [tilespmem:s22], [sflag:$0x2], $0x80, s20, s21, $0xb8;
	[tilespmem:$0x1AE80] =	vst v63  }
0x79: {  	_ =	swait.ge [sflag:s18], $0x2800  }
0x7a: {  	[sflag:s18] =	ssyncset.done $0x0  }
0x7b: {  	[sflag:s18] =	ssyncadd.s32 $0xFFFFD800  }
0x7c: {  	[spmem:s4] =	stream.indirect.scatter.add.f32 [tilespmem:s24], [sflag:$0x2], $0x1, s20, s21, $0xb8;
	[tilespmem:$0x1AE80] =	vst v63  }
0x7d: {  	_ =	swait.ge [sflag:s18], $0x50  }
0x7e: {  	s30 =	simm.s32 $0x14;
	s29 =	simm.s32 $0xA;
	[sflag:s18] =	ssyncset.done $0x0  }
.LBB2_4:
0x7f: {  	s31 =	sadd.s32 s29, s16  }
0x80: {  	[sflag:s18] =	ssyncadd.s32 $0xFFFFFFB0;
	s1 =	smov.u32 s30;
	s19 =	sadd.s32 $0xA, s30  }
0x81: {  	[tilespmem:s5], [sflag:$0x2] =	stream.linear.gather [hbm4b:s31+s5], $0x50, $0x38;
	[tilespmem:$0x1AE80] =	vst v63  }
0x82: {  	p0 =	sne.s32 s30, $0x4D8;
	_ =	swait.ge [sflag:s18], $0x50  }
0x83: {  	[sflag:s18] =	ssyncset.done $0x0  }
0x84: {  	s30 =	sadd.s32 s29, s15;
	s29 =	smov.u32 s1;
	[sflag:s18] =	ssyncadd.s32 $0xFFFFFFB0  }
0x85: {  	[tilespmem:s20], [sflag:$0x2] =	stream.linear.gather [hbm4b:s30+s5], $0x50, $0x38;
	[tilespmem:$0x1AE80] =	vst v63  }
0x86: {  	_ =	swait.ge [sflag:s18], $0x50  }
0x87: {  	[sflag:s18] =	ssyncset.done $0x0  }
0x88: {  	[sflag:s18] =	ssyncadd.s32 $0xFFFFFFB0  }
0x89: {  	[tilespmem:s22], [sflag:$0x1] =	stream.indirect.gather [hbm4b:s0+s21], $0x80, s5, s21, $0xb8;
	[tilespmem:$0x1AE80] =	vst v63  }
0x8a: {  	_ =	swait.ge [sflag:s23], $0x2800  }
0x8b: {  	[sflag:s23] =	ssyncset.done $0x0  }
0x8c: {  	[sflag:s23] =	ssyncadd.s32 $0xFFFFD800  }
0x8d: {  	[spmem:s2] =	stream.indirect.scatter.add.f32 [tilespmem:s22], [sflag:$0x2], $0x80, s20, s21, $0xb8;
	[tilespmem:$0x1AE80] =	vst v63  }
0x8e: {  	_ =	swait.ge [sflag:s18], $0x2800  }
.Ltmp1:
0x8f: {  	[sflag:s18] =	ssyncset.done $0x0;
	(pc) =	sbr.rel @p0 .LBB2_4-.Ltmp1, $4  }
0x90: {  	[sflag:s18] =	ssyncadd.s32 $0xFFFFD800  }
0x91: {  	[spmem:s4] =	stream.indirect.scatter.add.f32 [tilespmem:s24], [sflag:$0x2], $0x1, s20, s21, $0xb8;
	[tilespmem:$0x1AE80] =	vst v63  }
0x92: {  	_ =	swait.ge [sflag:s18], $0x50  }
0x93: {  	s30 =	smov.u32 s19;
	[sflag:s18] =	ssyncset.done $0x0  }
0x94: {  	s1 =	sadd.s32 s29, s16;
	[sflag:s18] =	ssyncadd.s32 $0xFFFFFFB0  }
0x95: {  	[tilespmem:s5], [sflag:$0x2] =	stream.linear.gather [hbm4b:s1+s5], $0x50, $0x38;
	[tilespmem:$0x1AE80] =	vst v63  }
0x96: {  	_ =	swait.ge [sflag:s18], $0x50  }
0x97: {  	[sflag:s18] =	ssyncset.done $0x0  }
0x98: {  	s29 =	sadd.s32 s29, s15;
	[sflag:s18] =	ssyncadd.s32 $0xFFFFFFB0  }
0x99: {  	[tilespmem:s20], [sflag:$0x2] =	stream.linear.gather [hbm4b:s29+s5], $0x50, $0x38;
	[tilespmem:$0x1AE80] =	vst v63  }
0x9a: {  	_ =	swait.ge [sflag:s18], $0x50  }
0x9b: {  	[sflag:s18] =	ssyncset.done $0x0  }
0x9c: {  	[sflag:s18] =	ssyncadd.s32 $0xFFFFFFB0  }
0x9d: {  	[tilespmem:s22], [sflag:$0x1] =	stream.indirect.gather [hbm4b:s0+s21], $0x80, s5, s21, $0xb8;
	[tilespmem:$0x1AE80] =	vst v63  }
0x9e: {  	_ =	swait.ge [sflag:s23], $0x2800  }
0x9f: {  	[sflag:s23] =	ssyncset.done $0x0  }
0xa0: {  	[sflag:s23] =	ssyncadd.s32 $0xFFFFD800  }
0xa1: {  	[spmem:s2] =	stream.indirect.scatter.add.f32 [tilespmem:s22], [sflag:$0x2], $0x80, s20, s21, $0xb8;
	[tilespmem:$0x1AE80] =	vst v63  }
0xa2: {  	_ =	swait.ge [sflag:s18], $0x2800  }
0xa3: {  	[sflag:s18] =	ssyncset.done $0x0  }
0xa4: {  	[sflag:s18] =	ssyncadd.s32 $0xFFFFD800  }
0xa5: {  	[spmem:s4] =	stream.indirect.scatter.add.f32 [tilespmem:s24], [sflag:$0x2], $0x1, s20, s21, $0xb8;
	[tilespmem:$0x1AE80] =	vst v63  }
0xa6: {  	_ =	swait.ge [sflag:s18], $0x50  }
0xa7: {  	[sflag:s18] =	ssyncset.done $0x0  }
0xa8: {  	s30 =	sshll.u32 s3, $0x6;
	[sflag:s18] =	ssyncadd.s32 $0xFFFFFFB0  }
0xa9: {  	s19 =	sshrl.u32 s6, $0x3;
	s1 =	sor.u32 $0x1C02, s30;
	[bflag:$0x0] =	sbarrier.arrive $0xFFFF  }
0xaa: {  	[hbm:s12], [sflag:s1] =	dma.local [spmem:s19], $0x2800  }
0xab: {  	s28 =	sadd.s32 $0x1, s28;
	_ =	swait.ge [sflag:s18], $0x2800  }
0xac: {  	p0 =	sne.s32 s28, s14;
	[sflag:s18] =	ssyncset.done $0x0  }
.Ltmp2:
0xad: {  	s31 =	sshrl.u32 s11, $0x3;
	[sflag:s18] =	ssyncadd.s32 $0xFFFFD800;
	(pc) =	sbr.rel @p0 .LBB2_1-.Ltmp2, $4  }
0xae: {  	[hbm:s13@s25], [sflag:s1] =	dma.strided [spmem:s31@s26], $0x50, s23, $0x10   }
0xaf: {  	_ =	swait.ge [sflag:s18], $0x50  }
0xb0: {  	[sflag:s18] =	ssyncset.done $0x0  }
0xb1: {  	[sflag:s18] =	ssyncadd.s32 $0xFFFFFFB0  }
0xb2: {  	_ =	sfence.sel $0x180000  }
0xb3: {  	[bflag:$0x0] =	sbarrier.arrive $0xFFFF  }
0xb4: {  	_ =	strace $0x90000047  }
0xb5: {  	[bflag:$0x2] =	sbarrier.arrive $0xFFFF  }
0xb6: {  	p0 =	sne.s32 s3, $0x0;
	s0 =	rddreg [dreg:$0x7]  }
0xb7: {  	s0 =	sadd.s32 @!p0 $0x100000, s0  }
0xb8: {  	[sflag:s0] =	ssyncadd.tile.s32 @!p0 $0x1;
	_ =	shalt  }
.Lfunc_end2:
_tile_overlayer_lowered:
.L_overlay_start_2:
0xb9: {  	(tag) =	ssettag $0x2  }
0xba: {  	s0 =	rddreg [dreg:$0x0];
	s2 =	stileid.u32  }
0xbb: {  	s1 =	rddreg [dreg:$0x1];
	p0 =	sne.s32 s2, $0x0  }
0xbc: {  	s3 =	rddreg [dreg:$0x2];
	[bflag:$0x3] =	sbarrier.arrive $0xFFFF;
	s2 =	simm.s32 @!p0 $0x1C02  }
0xbd: {  	[timem:s3], [sflag:s2] =	dma.local @!p0 [hbm:s0], s1  }
0xbe: {  	s0 =	simm.s32 @!p0 $0x2  }
0xbf: {  	_ =	swait.ge @!p0 [sflag:s0], s1  }
0xc0: {  	s1 =	ssub.s32 @!p0 $0x0, s1;
	[sflag:s0] =	ssyncset.done @!p0 $0x0  }
0xc1: {  	[sflag:s0] =	ssyncadd.s32 @!p0 s1  }
0xc2: {  	[bflag:$0x3] =	sbarrier.arrive $0xFFFF  }
0xc3: {  	_ =	shalt  }

</sc_bundles>
